<compile_context>
chip_gen: v7x
topology: tpu7x:2x2x1
jax: 0.10.2.dev20260603
libtpu: 0.0.44.dev20260713+nightly
codegen_flags: <defaults>
</compile_context>

<pallas_src>
import jax
import jax.numpy as jnp
from jax import lax
from jax.experimental import pallas as pl
from jax.experimental.pallas import tpu as pltpu
from jax.experimental.pallas import tpu_sc as plsc

B = 16
L = 2048
F = 12
NLANE = 16
TC = L // 128
RPW = F // 2 * TC
NROWS = F * 2 * TC * 8


def _fn_body(y_ref, len_ref, out_ref, slen_ref, rev_ref,
             lenv, slenv, revv, idxin, idxout, data_v, sem_g, sem_s):
    p = lax.axis_index("c")
    k = lax.axis_index("s")

    pltpu.sync_copy(len_ref, lenv)
    lv = lenv[...]
    io = lax.iota(jnp.int32, NLANE)
    keys = lv * NLANE + (NLANE - 1 - io)
    sk, idxv = plsc.sort_key_val(keys, io, descending=True)
    slv = lax.shift_right_logical(sk, 4)
    slenv[...] = slv
    plsc.store_scatter(revv, [idxv], io)

    src = jnp.sum(jnp.where(io == k, idxv, 0))
    len_k = jnp.sum(jnp.where(io == k, slv, 0))
    tr = src // 8
    s = src - 8 * tr
    tr2 = k // 8
    s2 = k - 8 * tr2

    def _bidx(f_i, carry):
        f = p * (F // 2) + f_i
        plsc.store_scatter(idxin, [io * (F // 2) + f_i],
                           (f * 2 + tr) * 128 + io * 8 + s)
        plsc.store_scatter(idxout, [io * (F // 2) + f_i],
                           (f * 2 + tr2) * 128 + io * 8 + s2)
        return carry

    lax.fori_loop(0, F // 2, _bidx, 0)

    gcopy = pltpu.async_copy(y_ref.at[idxin], data_v, sem_g)

    @pl.when(jnp.logical_and(p == 0, k == 0))
    def _emit_meta():
        pltpu.sync_copy(slenv, slen_ref)
        pltpu.sync_copy(revv, rev_ref)

    gcopy.wait()

    tcb = len_k // 128
    lb = len_k - 128 * tcb
    zero = jnp.zeros((NLANE,), jnp.int32)

    def _brow(i, carry):
        j = (F // 2) * tcb + i
        for c in range(8):
            m = c * NLANE + io >= lb
            plsc.store_scatter(data_v.at[j], [c * NLANE + io], zero, mask=m)
        return carry

    lax.fori_loop(0, F // 2, _brow, 0)

    def _zrow(j, carry):
        for c in range(8):
            data_v[j, pl.ds(c * NLANE, NLANE)] = zero
        return carry

    lax.fori_loop((F // 2) * (tcb + 1), RPW, _zrow, 0)

    pltpu.async_copy(data_v, out_ref.at[idxout], sem_s).wait()


@jax.jit
def kernel(x, lengths):
    y = (x.transpose(2, 0, 1)
          .reshape(F, 2, 8, TC, 128)
          .transpose(0, 1, 3, 2, 4)
          .reshape(NROWS, 128))
    mesh = plsc.VectorSubcoreMesh(
        core_axis_name="c", subcore_axis_name="s",
        num_cores=2, num_subcores=16)
    z, slen, rev = pl.kernel(
        _fn_body,
        out_type=[
            jax.ShapeDtypeStruct((NROWS, 128), jnp.int32),
            jax.ShapeDtypeStruct((B,), jnp.int32),
            jax.ShapeDtypeStruct((B,), jnp.int32),
        ],
        mesh=mesh,
        compiler_params=pltpu.CompilerParams(needs_layout_passes=False),
        scratch_types=[
            pltpu.VMEM((NLANE,), jnp.int32),
            pltpu.VMEM((NLANE,), jnp.int32),
            pltpu.VMEM((NLANE,), jnp.int32),
            pltpu.VMEM((RPW,), jnp.int32),
            pltpu.VMEM((RPW,), jnp.int32),
            pltpu.VMEM((RPW, 128), jnp.int32),
            pltpu.SemaphoreType.DMA,
            pltpu.SemaphoreType.DMA,
        ],
    )(y, lengths)
    ids = (z.reshape(F, 2, TC, 8, 128)
            .transpose(0, 1, 3, 2, 4)
            .reshape(F, B, L)
            .transpose(1, 2, 0))
    return ids, slen, rev

# --- scband reference (transcript-rebuilt; emitter-appended) ---
"""Pipeline reference for scband-feature-net-28630251995402 (READ-ONLY COPY).

The authoritative reference and input builder live on the scoring server;
editing this copy changes nothing except your own understanding.
"""

import jax, jax.numpy as jnp
import numpy as np

B = 16
L = 2048
F = 12

def setup_inputs(seed: int = 0) -> dict:
    key = jax.random.key(seed)
    k1, k2 = jax.random.split(key)
    x = jax.random.randint(k1, (B, L, F), 0, 10000, dtype=jnp.int64)
    lengths = jax.random.randint(k2, (B,), 0, 2048, dtype=jnp.int64)
    return {"x": x, "lengths": lengths}

def reference(x, lengths):
    # embedding_with_padding: zero-pad each sequence past its length with 12-dim zero vectors
    Bx, Lx, Fx = x.shape
    pos = jnp.arange(Lx)[None, :, None]
    mask = pos < lengths[:, None, None]
    padded = jnp.where(mask, x, 0)
    # torch.sort(lengths, 0, descending=True)
    indices = jnp.argsort(-lengths)
    sortedLen = lengths[indices]
    # _, reversedIndices = torch.sort(indices, 0)
    reversedIndices = jnp.argsort(indices)
    # feature_ = feature_[indices]
    ids = jnp.take(padded, indices, axis=0)
    return (ids, sortedLen, reversedIndices)

if __name__ == "__main__":
    import jax
    _d = setup_inputs()
    print(jax.jit(kernel)(*tuple(_d.values())))

</pallas_src>

<mosaic_0001>
#map = affine_map<(d0, d1) -> (0, 0)>
#map1 = affine_map<(d0, d1) -> (0)>
module attributes {stable_mosaic.version = 14 : i64} {
  func.func @_fn_body(%arg0: i32, %arg1: i32, %arg2: memref<3072x128xi32, #tpu.memory_space<hbm>>, %arg3: memref<16xi32, #tpu.memory_space<hbm>>, %arg4: memref<3072x128xi32, #tpu.memory_space<hbm>>, %arg5: memref<16xi32, #tpu.memory_space<hbm>>, %arg6: memref<16xi32, #tpu.memory_space<hbm>>, %arg7: memref<16xi32, #tpu.memory_space<vmem>>, %arg8: memref<16xi32, #tpu.memory_space<vmem>>, %arg9: memref<16xi32, #tpu.memory_space<vmem>>, %arg10: memref<96xi32, #tpu.memory_space<vmem>>, %arg11: memref<96xi32, #tpu.memory_space<vmem>>, %arg12: memref<96x128xi32, #tpu.memory_space<vmem>>, %arg13: memref<!tpu.dma_semaphore, #tpu.memory_space<semaphore_mem>>, %arg14: memref<!tpu.dma_semaphore, #tpu.memory_space<semaphore_mem>>) attributes {dimension_semantics = [#tpu.dimension_semantics<core_parallel>, #tpu.dimension_semantics<subcore_parallel>], iteration_bounds = array<i64: 2, 16>, scalar_prefetch = 0 : i64, scratch_operands = 8 : i64, tpu.core_type = #tpu.core_type<sc_vector_subcore>, window_params = [{transform_indices = #map}, {transform_indices = #map1}, {transform_indices = #map}, {transform_indices = #map1}, {transform_indices = #map1}]} {
    "tpu.region"() ({
      %run_scoped3A = tpu.sem_alloc : memref<!tpu.dma_semaphore, #tpu.memory_space<semaphore_mem>>
      tpu.enqueue_dma source(%arg3 : memref<16xi32, #tpu.memory_space<hbm>>) target(%arg7 : memref<16xi32, #tpu.memory_space<vmem>>) target_semaphore(%run_scoped3A : memref<!tpu.dma_semaphore, #tpu.memory_space<semaphore_mem>>)
      tpu.wait_dma2 semaphore(%run_scoped3A : memref<!tpu.dma_semaphore, #tpu.memory_space<semaphore_mem>>) src(%arg3 : memref<16xi32, #tpu.memory_space<hbm>>) dst(%arg7 : memref<16xi32, #tpu.memory_space<vmem>>)
      tpu.yield
    }) : () -> ()
    %get3A = arith.constant 0 : index
    %get3A_0 = tpu.vector_load %arg7[%get3A] {strides = array<i32>} : memref<16xi32, #tpu.memory_space<vmem>>, vector<16xi32>,
    %iota3A = tpu.iota {dimensions = array<i32: 0>} : vector<16xi32>
    %mul3A = arith.constant 16 : i32
    %mul3A_1 = vector.broadcast %mul3A : i32 to vector<16xi32>
    %mul3A_2 = arith.muli %get3A_0, %mul3A_1 : vector<16xi32>
    %sub3A = arith.constant 15 : i32
    %sub3A_3 = vector.broadcast %sub3A : i32 to vector<16xi32>
    %sub3A_4 = arith.subi %sub3A_3, %iota3A : vector<16xi32>
    %add3A = arith.addi %mul3A_2, %sub3A_4 : vector<16xi32>
    %masked_sort3A = arith.constant dense<true> : vector<16xi1>
    %masked_sort3A_5 = arith.constant -2147483648 : i32
    %masked_sort3A_6 = vector.broadcast %masked_sort3A_5 : i32 to vector<16xi32>
    %masked_sort3A_7 = arith.xori %add3A, %masked_sort3A_6 : vector<16xi32>
    %masked_sort3A_8, %masked_sort3A_9, %masked_sort3A_10 = tpu.sort %masked_sort3A_7, %iota3A masked %masked_sort3A {descending = true} : (vector<16xi32>, vector<16xi32>, vector<16xi1>) -> (vector<16xi1>, vector<16xi32>, vector<16xi32>)
    %masked_sort3A_11 = arith.xori %masked_sort3A_9, %masked_sort3A_6 : vector<16xi32>
    %shift_right_logical3A = arith.constant 4 : i32
    %shift_right_logical3A_12 = vector.broadcast %shift_right_logical3A : i32 to vector<16xi32>
    %shift_right_logical3A_13 = arith.shrui %masked_sort3A_11, %shift_right_logical3A_12 : vector<16xi32>
    %swap3A = arith.constant 0 : index
    %swap3A_14 = tpu.vector_load %arg8[%swap3A] {strides = array<i32>} : memref<16xi32, #tpu.memory_space<vmem>>, vector<16xi32>,
    tpu.vector_store %arg8[%swap3A], %shift_right_logical3A_13 {strides = array<i32>} : memref<16xi32, #tpu.memory_space<vmem>>, vector<16xi32>,
    tpu.vector_store_idx %arg9[%masked_sort3A_10], %iota3A : memref<16xi32, #tpu.memory_space<vmem>>[vector<16xi32>], vector<16xi32>,
    %eq3A = vector.broadcast %arg1 : i32 to vector<16xi32>
    %eq3A_15 = arith.cmpi eq, %iota3A, %eq3A : vector<16xi32>
    %jit3A = arith.constant 0 : i32
    %broadcast_in_dim3A = vector.broadcast %jit3A : i32 to vector<16xi32>
    %select_n3A = arith.select %eq3A_15, %masked_sort3A_10, %broadcast_in_dim3A : vector<16xi1>, vector<16xi32>
    %reduce_sum3A = arith.constant true
    %reduce_sum3A_16 = vector.broadcast %reduce_sum3A : i1 to vector<16xi1>
    %reduce_sum3A_17 = tpu.scan <sum>, %select_n3A masked %reduce_sum3A_16 : vector<16xi32>, vector<16xi1> -> vector<16xi32>
    %reduce_sum3A_18 = vector.extract %reduce_sum3A_17[15] : i32 from vector<16xi32>
    %eq3A_19 = vector.broadcast %arg1 : i32 to vector<16xi32>
    %eq3A_20 = arith.cmpi eq, %iota3A, %eq3A_19 : vector<16xi32>
    %jit3A_21 = arith.constant 0 : i32
    %broadcast_in_dim3A_22 = vector.broadcast %jit3A_21 : i32 to vector<16xi32>
    %select_n3A_23 = arith.select %eq3A_20, %shift_right_logical3A_13, %broadcast_in_dim3A_22 : vector<16xi1>, vector<16xi32>
    %reduce_sum3A_24 = arith.constant true
    %reduce_sum3A_25 = vector.broadcast %reduce_sum3A_24 : i1 to vector<16xi1>
    %reduce_sum3A_26 = tpu.scan <sum>, %select_n3A_23 masked %reduce_sum3A_25 : vector<16xi32>, vector<16xi1> -> vector<16xi32>
    %reduce_sum3A_27 = vector.extract %reduce_sum3A_26[15] : i32 from vector<16xi32>
    %jit3A_28 = arith.constant 8 : i32
    %div3A = arith.divsi %reduce_sum3A_18, %jit3A_28 : i32
    %sign3A = arith.constant 0 : i32
    %sign3A_29 = arith.cmpi sgt, %reduce_sum3A_18, %sign3A : i32
    %sign3A_30 = arith.extui %sign3A_29 : i1 to i32
    %sign3A_31 = arith.constant 0 : i32
    %sign3A_32 = arith.cmpi slt, %reduce_sum3A_18, %sign3A_31 : i32
    %sign3A_33 = arith.extui %sign3A_32 : i1 to i32
    %sign3A_34 = arith.subi %sign3A_30, %sign3A_33 : i32
    %sign3A_35 = arith.constant 0 : i32
    %sign3A_36 = arith.cmpi sgt, %jit3A_28, %sign3A_35 : i32
    %sign3A_37 = arith.extui %sign3A_36 : i1 to i32
    %sign3A_38 = arith.constant 0 : i32
    %sign3A_39 = arith.cmpi slt, %jit3A_28, %sign3A_38 : i32
    %sign3A_40 = arith.extui %sign3A_39 : i1 to i32
    %sign3A_41 = arith.subi %sign3A_37, %sign3A_40 : i32
    %ne3A = arith.cmpi ne, %sign3A_34, %sign3A_41 : i32
    %rem3A = arith.remsi %reduce_sum3A_18, %jit3A_28 : i32
    %ne3A_42 = arith.constant 0 : i32
    %ne3A_43 = arith.cmpi ne, %rem3A, %ne3A_42 : i32
    %and3A = arith.andi %ne3A, %ne3A_43 : i1
    %sub3A_44 = arith.constant 1 : i32
    %sub3A_45 = arith.subi %div3A, %sub3A_44 : i32
    %select_n3A_46 = arith.select %and3A, %sub3A_45, %div3A : i32
    %mul3A_47 = arith.constant 8 : i32
    %mul3A_48 = arith.muli %mul3A_47, %select_n3A_46 : i32
    %sub3A_49 = arith.subi %reduce_sum3A_18, %mul3A_48 : i32
    %jit3A_50 = arith.constant 8 : i32
    %div3A_51 = arith.divsi %arg1, %jit3A_50 : i32
    %sign3A_52 = arith.constant 0 : i32
    %sign3A_53 = arith.cmpi sgt, %arg1, %sign3A_52 : i32
    %sign3A_54 = arith.extui %sign3A_53 : i1 to i32
    %sign3A_55 = arith.constant 0 : i32
    %sign3A_56 = arith.cmpi slt, %arg1, %sign3A_55 : i32
    %sign3A_57 = arith.extui %sign3A_56 : i1 to i32
    %sign3A_58 = arith.subi %sign3A_54, %sign3A_57 : i32
    %sign3A_59 = arith.constant 0 : i32
    %sign3A_60 = arith.cmpi sgt, %jit3A_50, %sign3A_59 : i32
    %sign3A_61 = arith.extui %sign3A_60 : i1 to i32
    %sign3A_62 = arith.constant 0 : i32
    %sign3A_63 = arith.cmpi slt, %jit3A_50, %sign3A_62 : i32
    %sign3A_64 = arith.extui %sign3A_63 : i1 to i32
    %sign3A_65 = arith.subi %sign3A_61, %sign3A_64 : i32
    %ne3A_66 = arith.cmpi ne, %sign3A_58, %sign3A_65 : i32
    %rem3A_67 = arith.remsi %arg1, %jit3A_50 : i32
    %ne3A_68 = arith.constant 0 : i32
    %ne3A_69 = arith.cmpi ne, %rem3A_67, %ne3A_68 : i32
    %and3A_70 = arith.andi %ne3A_66, %ne3A_69 : i1
    %sub3A_71 = arith.constant 1 : i32
    %sub3A_72 = arith.subi %div3A_51, %sub3A_71 : i32
    %select_n3A_73 = arith.select %and3A_70, %sub3A_72, %div3A_51 : i32
    %mul3A_74 = arith.constant 8 : i32
    %mul3A_75 = arith.muli %mul3A_74, %select_n3A_73 : i32
    %sub3A_76 = arith.subi %arg1, %mul3A_75 : i32
    %scan3A = arith.constant 0 : i32
    %scan3A_77 = arith.constant 0 : i32
    %scan3A_78 = arith.constant 6 : i32
    %scan3A_79 = arith.addi %scan3A_77, %scan3A_78 : i32
    %scan3A_80 = arith.constant 1 : i32
    scf.for %scan3A_146 = %scan3A_77 to %scan3A_79 step %scan3A_80  : i32 {
      %mul3A_147 = arith.constant 6 : i32
      %mul3A_148 = arith.muli %arg0, %mul3A_147 : i32
      %add3A_149 = arith.addi %mul3A_148, %scan3A_146 : i32
      %mul3A_150 = arith.constant 6 : i32
      %mul3A_151 = vector.broadcast %mul3A_150 : i32 to vector<16xi32>
      %mul3A_152 = arith.muli %iota3A, %mul3A_151 : vector<16xi32>
      %add3A_153 = vector.broadcast %scan3A_146 : i32 to vector<16xi32>
      %add3A_154 = arith.addi %mul3A_152, %add3A_153 : vector<16xi32>
      %mul3A_155 = arith.constant 2 : i32
      %mul3A_156 = arith.muli %add3A_149, %mul3A_155 : i32
      %add3A_157 = arith.addi %mul3A_156, %select_n3A_46 : i32
      %mul3A_158 = arith.constant 128 : i32
      %mul3A_159 = arith.muli %add3A_157, %mul3A_158 : i32
      %mul3A_160 = arith.constant 8 : i32
      %mul3A_161 = vector.broadcast %mul3A_160 : i32 to vector<16xi32>
      %mul3A_162 = arith.muli %iota3A, %mul3A_161 : vector<16xi32>
      %add3A_163 = vector.broadcast %mul3A_159 : i32 to vector<16xi32>
      %add3A_164 = arith.addi %add3A_163, %mul3A_162 : vector<16xi32>
      %add3A_165 = vector.broadcast %sub3A_49 : i32 to vector<16xi32>
      %add3A_166 = arith.addi %add3A_164, %add3A_165 : vector<16xi32>
      tpu.vector_store_idx %arg10[%add3A_154], %add3A_166 : memref<96xi32, #tpu.memory_space<vmem>>[vector<16xi32>], vector<16xi32>,
      %mul3A_167 = arith.constant 6 : i32
      %mul3A_168 = vector.broadcast %mul3A_167 : i32 to vector<16xi32>
      %mul3A_169 = arith.muli %iota3A, %mul3A_168 : vector<16xi32>
      %add3A_170 = vector.broadcast %scan3A_146 : i32 to vector<16xi32>
      %add3A_171 = arith.addi %mul3A_169, %add3A_170 : vector<16xi32>
      %mul3A_172 = arith.constant 2 : i32
      %mul3A_173 = arith.muli %add3A_149, %mul3A_172 : i32
      %add3A_174 = arith.addi %mul3A_173, %select_n3A_73 : i32
      %mul3A_175 = arith.constant 128 : i32
      %mul3A_176 = arith.muli %add3A_174, %mul3A_175 : i32
      %mul3A_177 = arith.constant 8 : i32
      %mul3A_178 = vector.broadcast %mul3A_177 : i32 to vector<16xi32>
      %mul3A_179 = arith.muli %iota3A, %mul3A_178 : vector<16xi32>
      %add3A_180 = vector.broadcast %mul3A_176 : i32 to vector<16xi32>
      %add3A_181 = arith.addi %add3A_180, %mul3A_179 : vector<16xi32>
      %add3A_182 = vector.broadcast %sub3A_76 : i32 to vector<16xi32>
      %add3A_183 = arith.addi %add3A_181, %add3A_182 : vector<16xi32>
      tpu.vector_store_idx %arg11[%add3A_171], %add3A_183 : memref<96xi32, #tpu.memory_space<vmem>>[vector<16xi32>], vector<16xi32>,
    }
    %scan3A_81 = arith.constant 6 : i32
    %dma_start3A = arith.constant 0 : i32
    %dma_start3A_82 = arith.constant 0 : i32
    %dma_start3A_83 = tpu.memref_slice %arg2[%dma_start3A, %dma_start3A_82] : memref<3072x128xi32, #tpu.memory_space<hbm>> -> memref<3072x128xi32, #tpu.memory_space<hbm>>
    tpu.enqueue_indirect_dma source(%dma_start3A_83 : memref<3072x128xi32, #tpu.memory_space<hbm>>) target(%arg12 : memref<96x128xi32, #tpu.memory_space<vmem>>) offsets(%arg10 : memref<96xi32, #tpu.memory_space<vmem>>) semaphore(%arg13 : memref<!tpu.dma_semaphore, #tpu.memory_space<semaphore_mem>>)
    %eq3A_84 = arith.constant 0 : i32
    %eq3A_85 = arith.cmpi eq, %arg0, %eq3A_84 : i32
    %eq3A_86 = arith.constant 0 : i32
    %eq3A_87 = arith.cmpi eq, %arg1, %eq3A_86 : i32
    %and3A_88 = arith.andi %eq3A_85, %eq3A_87 : i1
    %convert_element_type3A = arith.extui %and3A_88 : i1 to i32
    %cond3A = arith.constant 0 : i32
    %cond3A_89 = arith.cmpi ne, %convert_element_type3A, %cond3A : i32
    scf.if %cond3A_89 {
      "tpu.region"() ({
        %run_scoped3A = tpu.sem_alloc : memref<!tpu.dma_semaphore, #tpu.memory_space<semaphore_mem>>
        tpu.enqueue_dma source(%arg8 : memref<16xi32, #tpu.memory_space<vmem>>) target(%arg5 : memref<16xi32, #tpu.memory_space<hbm>>) target_semaphore(%run_scoped3A : memref<!tpu.dma_semaphore, #tpu.memory_space<semaphore_mem>>)
        tpu.wait_dma2 semaphore(%run_scoped3A : memref<!tpu.dma_semaphore, #tpu.memory_space<semaphore_mem>>) src(%arg8 : memref<16xi32, #tpu.memory_space<vmem>>) dst(%arg5 : memref<16xi32, #tpu.memory_space<hbm>>)
        tpu.yield
      }) : () -> ()
      "tpu.region"() ({
        %run_scoped3A = tpu.sem_alloc : memref<!tpu.dma_semaphore, #tpu.memory_space<semaphore_mem>>
        tpu.enqueue_dma source(%arg9 : memref<16xi32, #tpu.memory_space<vmem>>) target(%arg6 : memref<16xi32, #tpu.memory_space<hbm>>) target_semaphore(%run_scoped3A : memref<!tpu.dma_semaphore, #tpu.memory_space<semaphore_mem>>)
        tpu.wait_dma2 semaphore(%run_scoped3A : memref<!tpu.dma_semaphore, #tpu.memory_space<semaphore_mem>>) src(%arg9 : memref<16xi32, #tpu.memory_space<vmem>>) dst(%arg6 : memref<16xi32, #tpu.memory_space<hbm>>)
        tpu.yield
      }) : () -> ()
    } else {
    }
    %dma_wait3A = arith.constant 0 : i32
    %dma_wait3A_90 = arith.constant 0 : i32
    %dma_wait3A_91 = tpu.memref_slice %arg2[%dma_wait3A, %dma_wait3A_90] : memref<3072x128xi32, #tpu.memory_space<hbm>> -> memref<3072x128xi32, #tpu.memory_space<hbm>>
    tpu.wait_indirect_dma semaphore(%arg13 : memref<!tpu.dma_semaphore, #tpu.memory_space<semaphore_mem>>) src(%dma_wait3A_91 : memref<3072x128xi32, #tpu.memory_space<hbm>>) dst(%arg12 : memref<96x128xi32, #tpu.memory_space<vmem>>)
    %jit3A_92 = arith.constant 128 : i32
    %div3A_93 = arith.divsi %reduce_sum3A_27, %jit3A_92 : i32
    %sign3A_94 = arith.constant 0 : i32
    %sign3A_95 = arith.cmpi sgt, %reduce_sum3A_27, %sign3A_94 : i32
    %sign3A_96 = arith.extui %sign3A_95 : i1 to i32
    %sign3A_97 = arith.constant 0 : i32
    %sign3A_98 = arith.cmpi slt, %reduce_sum3A_27, %sign3A_97 : i32
    %sign3A_99 = arith.extui %sign3A_98 : i1 to i32
    %sign3A_100 = arith.subi %sign3A_96, %sign3A_99 : i32
    %sign3A_101 = arith.constant 0 : i32
    %sign3A_102 = arith.cmpi sgt, %jit3A_92, %sign3A_101 : i32
    %sign3A_103 = arith.extui %sign3A_102 : i1 to i32
    %sign3A_104 = arith.constant 0 : i32
    %sign3A_105 = arith.cmpi slt, %jit3A_92, %sign3A_104 : i32
    %sign3A_106 = arith.extui %sign3A_105 : i1 to i32
    %sign3A_107 = arith.subi %sign3A_103, %sign3A_106 : i32
    %ne3A_108 = arith.cmpi ne, %sign3A_100, %sign3A_107 : i32
    %rem3A_109 = arith.remsi %reduce_sum3A_27, %jit3A_92 : i32
    %ne3A_110 = arith.constant 0 : i32
    %ne3A_111 = arith.cmpi ne, %rem3A_109, %ne3A_110 : i32
    %and3A_112 = arith.andi %ne3A_108, %ne3A_111 : i1
    %sub3A_113 = arith.constant 1 : i32
    %sub3A_114 = arith.subi %div3A_93, %sub3A_113 : i32
    %select_n3A_115 = arith.select %and3A_112, %sub3A_114, %div3A_93 : i32
    %mul3A_116 = arith.constant 128 : i32
    %mul3A_117 = arith.muli %mul3A_116, %select_n3A_115 : i32
    %sub3A_118 = arith.subi %reduce_sum3A_27, %mul3A_117 : i32
    %broadcast_in_dim3A_119 = arith.constant 0 : i32
    %broadcast_in_dim3A_120 = vector.broadcast %broadcast_in_dim3A_119 : i32 to vector<16xi32>
    %scan3A_121 = arith.constant 0 : i32
    %scan3A_122 = arith.constant 0 : i32
    %scan3A_123 = arith.constant 6 : i32
    %scan3A_124 = arith.addi %scan3A_122, %scan3A_123 : i32
    %scan3A_125 = arith.constant 1 : i32
    scf.for %scan3A_146 = %scan3A_122 to %scan3A_124 step %scan3A_125  : i32 {
      %mul3A_147 = arith.constant 6 : i32
      %mul3A_148 = arith.muli %mul3A_147, %select_n3A_115 : i32
      %add3A_149 = arith.addi %mul3A_148, %scan3A_146 : i32
      %add3A_150 = arith.constant 0 : i32
      %add3A_151 = vector.broadcast %add3A_150 : i32 to vector<16xi32>
      %add3A_152 = arith.addi %add3A_151, %iota3A : vector<16xi32>
      %ge3A = vector.broadcast %sub3A_118 : i32 to vector<16xi32>
      %ge3A_153 = arith.cmpi sge, %add3A_152, %ge3A : vector<16xi32>
      %add3A_154 = arith.constant 0 : i32
      %add3A_155 = vector.broadcast %add3A_154 : i32 to vector<16xi32>
      %add3A_156 = arith.addi %add3A_155, %iota3A : vector<16xi32>
      %scatter3A = arith.constant 0 : i32
      %scatter3A_157 = tpu.memref_slice %arg12[%add3A_149, %scatter3A] : memref<96x128xi32, #tpu.memory_space<vmem>> -> memref<1x128xi32, #tpu.memory_space<vmem>>
      %scatter3A_158 = tpu.memref_squeeze %scatter3A_157 : memref<1x128xi32, #tpu.memory_space<vmem>> -> memref<128xi32, #tpu.memory_space<vmem>>
      tpu.vector_store_idx %scatter3A_158[%add3A_156], %broadcast_in_dim3A_120 masked %ge3A_153 : memref<128xi32, #tpu.memory_space<vmem>>[vector<16xi32>], vector<16xi32>, vector<16xi1>
      %add3A_159 = arith.constant 16 : i32
      %add3A_160 = vector.broadcast %add3A_159 : i32 to vector<16xi32>
      %add3A_161 = arith.addi %add3A_160, %iota3A : vector<16xi32>
      %ge3A_162 = vector.broadcast %sub3A_118 : i32 to vector<16xi32>
      %ge3A_163 = arith.cmpi sge, %add3A_161, %ge3A_162 : vector<16xi32>
      %add3A_164 = arith.constant 16 : i32
      %add3A_165 = vector.broadcast %add3A_164 : i32 to vector<16xi32>
      %add3A_166 = arith.addi %add3A_165, %iota3A : vector<16xi32>
      %scatter3A_167 = arith.constant 0 : i32
      %scatter3A_168 = tpu.memref_slice %arg12[%add3A_149, %scatter3A_167] : memref<96x128xi32, #tpu.memory_space<vmem>> -> memref<1x128xi32, #tpu.memory_space<vmem>>
      %scatter3A_169 = tpu.memref_squeeze %scatter3A_168 : memref<1x128xi32, #tpu.memory_space<vmem>> -> memref<128xi32, #tpu.memory_space<vmem>>
      tpu.vector_store_idx %scatter3A_169[%add3A_166], %broadcast_in_dim3A_120 masked %ge3A_163 : memref<128xi32, #tpu.memory_space<vmem>>[vector<16xi32>], vector<16xi32>, vector<16xi1>
      %add3A_170 = arith.constant 32 : i32
      %add3A_171 = vector.broadcast %add3A_170 : i32 to vector<16xi32>
      %add3A_172 = arith.addi %add3A_171, %iota3A : vector<16xi32>
      %ge3A_173 = vector.broadcast %sub3A_118 : i32 to vector<16xi32>
      %ge3A_174 = arith.cmpi sge, %add3A_172, %ge3A_173 : vector<16xi32>
      %add3A_175 = arith.constant 32 : i32
      %add3A_176 = vector.broadcast %add3A_175 : i32 to vector<16xi32>
      %add3A_177 = arith.addi %add3A_176, %iota3A : vector<16xi32>
      %scatter3A_178 = arith.constant 0 : i32
      %scatter3A_179 = tpu.memref_slice %arg12[%add3A_149, %scatter3A_178] : memref<96x128xi32, #tpu.memory_space<vmem>> -> memref<1x128xi32, #tpu.memory_space<vmem>>
      %scatter3A_180 = tpu.memref_squeeze %scatter3A_179 : memref<1x128xi32, #tpu.memory_space<vmem>> -> memref<128xi32, #tpu.memory_space<vmem>>
      tpu.vector_store_idx %scatter3A_180[%add3A_177], %broadcast_in_dim3A_120 masked %ge3A_174 : memref<128xi32, #tpu.memory_space<vmem>>[vector<16xi32>], vector<16xi32>, vector<16xi1>
      %add3A_181 = arith.constant 48 : i32
      %add3A_182 = vector.broadcast %add3A_181 : i32 to vector<16xi32>
      %add3A_183 = arith.addi %add3A_182, %iota3A : vector<16xi32>
      %ge3A_184 = vector.broadcast %sub3A_118 : i32 to vector<16xi32>
      %ge3A_185 = arith.cmpi sge, %add3A_183, %ge3A_184 : vector<16xi32>
      %add3A_186 = arith.constant 48 : i32
      %add3A_187 = vector.broadcast %add3A_186 : i32 to vector<16xi32>
      %add3A_188 = arith.addi %add3A_187, %iota3A : vector<16xi32>
      %scatter3A_189 = arith.constant 0 : i32
      %scatter3A_190 = tpu.memref_slice %arg12[%add3A_149, %scatter3A_189] : memref<96x128xi32, #tpu.memory_space<vmem>> -> memref<1x128xi32, #tpu.memory_space<vmem>>
      %scatter3A_191 = tpu.memref_squeeze %scatter3A_190 : memref<1x128xi32, #tpu.memory_space<vmem>> -> memref<128xi32, #tpu.memory_space<vmem>>
      tpu.vector_store_idx %scatter3A_191[%add3A_188], %broadcast_in_dim3A_120 masked %ge3A_185 : memref<128xi32, #tpu.memory_space<vmem>>[vector<16xi32>], vector<16xi32>, vector<16xi1>
      %add3A_192 = arith.constant 64 : i32
      %add3A_193 = vector.broadcast %add3A_192 : i32 to vector<16xi32>
      %add3A_194 = arith.addi %add3A_193, %iota3A : vector<16xi32>
      %ge3A_195 = vector.broadcast %sub3A_118 : i32 to vector<16xi32>
      %ge3A_196 = arith.cmpi sge, %add3A_194, %ge3A_195 : vector<16xi32>
      %add3A_197 = arith.constant 64 : i32
      %add3A_198 = vector.broadcast %add3A_197 : i32 to vector<16xi32>
      %add3A_199 = arith.addi %add3A_198, %iota3A : vector<16xi32>
      %scatter3A_200 = arith.constant 0 : i32
      %scatter3A_201 = tpu.memref_slice %arg12[%add3A_149, %scatter3A_200] : memref<96x128xi32, #tpu.memory_space<vmem>> -> memref<1x128xi32, #tpu.memory_space<vmem>>
      %scatter3A_202 = tpu.memref_squeeze %scatter3A_201 : memref<1x128xi32, #tpu.memory_space<vmem>> -> memref<128xi32, #tpu.memory_space<vmem>>
      tpu.vector_store_idx %scatter3A_202[%add3A_199], %broadcast_in_dim3A_120 masked %ge3A_196 : memref<128xi32, #tpu.memory_space<vmem>>[vector<16xi32>], vector<16xi32>, vector<16xi1>
      %add3A_203 = arith.constant 80 : i32
      %add3A_204 = vector.broadcast %add3A_203 : i32 to vector<16xi32>
      %add3A_205 = arith.addi %add3A_204, %iota3A : vector<16xi32>
      %ge3A_206 = vector.broadcast %sub3A_118 : i32 to vector<16xi32>
      %ge3A_207 = arith.cmpi sge, %add3A_205, %ge3A_206 : vector<16xi32>
      %add3A_208 = arith.constant 80 : i32
      %add3A_209 = vector.broadcast %add3A_208 : i32 to vector<16xi32>
      %add3A_210 = arith.addi %add3A_209, %iota3A : vector<16xi32>
      %scatter3A_211 = arith.constant 0 : i32
      %scatter3A_212 = tpu.memref_slice %arg12[%add3A_149, %scatter3A_211] : memref<96x128xi32, #tpu.memory_space<vmem>> -> memref<1x128xi32, #tpu.memory_space<vmem>>
      %scatter3A_213 = tpu.memref_squeeze %scatter3A_212 : memref<1x128xi32, #tpu.memory_space<vmem>> -> memref<128xi32, #tpu.memory_space<vmem>>
      tpu.vector_store_idx %scatter3A_213[%add3A_210], %broadcast_in_dim3A_120 masked %ge3A_207 : memref<128xi32, #tpu.memory_space<vmem>>[vector<16xi32>], vector<16xi32>, vector<16xi1>
      %add3A_214 = arith.constant 96 : i32
      %add3A_215 = vector.broadcast %add3A_214 : i32 to vector<16xi32>
      %add3A_216 = arith.addi %add3A_215, %iota3A : vector<16xi32>
      %ge3A_217 = vector.broadcast %sub3A_118 : i32 to vector<16xi32>
      %ge3A_218 = arith.cmpi sge, %add3A_216, %ge3A_217 : vector<16xi32>
      %add3A_219 = arith.constant 96 : i32
      %add3A_220 = vector.broadcast %add3A_219 : i32 to vector<16xi32>
      %add3A_221 = arith.addi %add3A_220, %iota3A : vector<16xi32>
      %scatter3A_222 = arith.constant 0 : i32
      %scatter3A_223 = tpu.memref_slice %arg12[%add3A_149, %scatter3A_222] : memref<96x128xi32, #tpu.memory_space<vmem>> -> memref<1x128xi32, #tpu.memory_space<vmem>>
      %scatter3A_224 = tpu.memref_squeeze %scatter3A_223 : memref<1x128xi32, #tpu.memory_space<vmem>> -> memref<128xi32, #tpu.memory_space<vmem>>
      tpu.vector_store_idx %scatter3A_224[%add3A_221], %broadcast_in_dim3A_120 masked %ge3A_218 : memref<128xi32, #tpu.memory_space<vmem>>[vector<16xi32>], vector<16xi32>, vector<16xi1>
      %add3A_225 = arith.constant 112 : i32
      %add3A_226 = vector.broadcast %add3A_225 : i32 to vector<16xi32>
      %add3A_227 = arith.addi %add3A_226, %iota3A : vector<16xi32>
      %ge3A_228 = vector.broadcast %sub3A_118 : i32 to vector<16xi32>
      %ge3A_229 = arith.cmpi sge, %add3A_227, %ge3A_228 : vector<16xi32>
      %add3A_230 = arith.constant 112 : i32
      %add3A_231 = vector.broadcast %add3A_230 : i32 to vector<16xi32>
      %add3A_232 = arith.addi %add3A_231, %iota3A : vector<16xi32>
      %scatter3A_233 = arith.constant 0 : i32
      %scatter3A_234 = tpu.memref_slice %arg12[%add3A_149, %scatter3A_233] : memref<96x128xi32, #tpu.memory_space<vmem>> -> memref<1x128xi32, #tpu.memory_space<vmem>>
      %scatter3A_235 = tpu.memref_squeeze %scatter3A_234 : memref<1x128xi32, #tpu.memory_space<vmem>> -> memref<128xi32, #tpu.memory_space<vmem>>
      tpu.vector_store_idx %scatter3A_235[%add3A_232], %broadcast_in_dim3A_120 masked %ge3A_229 : memref<128xi32, #tpu.memory_space<vmem>>[vector<16xi32>], vector<16xi32>, vector<16xi1>
    }
    %scan3A_126 = arith.constant 6 : i32
    %add3A_127 = arith.constant 1 : i32
    %add3A_128 = arith.addi %select_n3A_115, %add3A_127 : i32
    %mul3A_129 = arith.constant 6 : i32
    %mul3A_130 = arith.muli %mul3A_129, %add3A_128 : i32
    %while3A = arith.constant 0 : i32
    %while3A_131 = arith.constant 96 : i32
    %while3A_132 = arith.subi %while3A_131, %mul3A_130 : i32
    %while3A_133 = arith.addi %mul3A_130, %while3A_132 : i32
    %while3A_134 = arith.constant 1 : i32
    %while3A_135 = arith.divsi %while3A_132, %while3A_134 : i32
    %while3A_136 = arith.muli %while3A_135, %while3A_134 : i32
    %while3A_137 = arith.addi %mul3A_130, %while3A_136 : i32
    %while3A_138 = arith.constant 1 : i32
    scf.for %while3A_146 = %mul3A_130 to %while3A_137 step %while3A_138  : i32 {
      %swap3A_147 = arith.index_cast %while3A_146 : i32 to index
      %swap3A_148 = arith.constant 0 : index
      %swap3A_149 = tpu.vector_load %arg12[%swap3A_147, %swap3A_148] {strides = array<i32>} : memref<96x128xi32, #tpu.memory_space<vmem>>, vector<16xi32>,
      tpu.vector_store %arg12[%swap3A_147, %swap3A_148], %broadcast_in_dim3A_120 {strides = array<i32>} : memref<96x128xi32, #tpu.memory_space<vmem>>, vector<16xi32>,
      %swap3A_150 = arith.index_cast %while3A_146 : i32 to index
      %swap3A_151 = arith.constant 16 : index
      %swap3A_152 = tpu.vector_load %arg12[%swap3A_150, %swap3A_151] {strides = array<i32>} : memref<96x128xi32, #tpu.memory_space<vmem>>, vector<16xi32>,
      tpu.vector_store %arg12[%swap3A_150, %swap3A_151], %broadcast_in_dim3A_120 {strides = array<i32>} : memref<96x128xi32, #tpu.memory_space<vmem>>, vector<16xi32>,
      %swap3A_153 = arith.index_cast %while3A_146 : i32 to index
      %swap3A_154 = arith.constant 32 : index
      %swap3A_155 = tpu.vector_load %arg12[%swap3A_153, %swap3A_154] {strides = array<i32>} : memref<96x128xi32, #tpu.memory_space<vmem>>, vector<16xi32>,
      tpu.vector_store %arg12[%swap3A_153, %swap3A_154], %broadcast_in_dim3A_120 {strides = array<i32>} : memref<96x128xi32, #tpu.memory_space<vmem>>, vector<16xi32>,
      %swap3A_156 = arith.index_cast %while3A_146 : i32 to index
      %swap3A_157 = arith.constant 48 : index
      %swap3A_158 = tpu.vector_load %arg12[%swap3A_156, %swap3A_157] {strides = array<i32>} : memref<96x128xi32, #tpu.memory_space<vmem>>, vector<16xi32>,
      tpu.vector_store %arg12[%swap3A_156, %swap3A_157], %broadcast_in_dim3A_120 {strides = array<i32>} : memref<96x128xi32, #tpu.memory_space<vmem>>, vector<16xi32>,
      %swap3A_159 = arith.index_cast %while3A_146 : i32 to index
      %swap3A_160 = arith.constant 64 : index
      %swap3A_161 = tpu.vector_load %arg12[%swap3A_159, %swap3A_160] {strides = array<i32>} : memref<96x128xi32, #tpu.memory_space<vmem>>, vector<16xi32>,
      tpu.vector_store %arg12[%swap3A_159, %swap3A_160], %broadcast_in_dim3A_120 {strides = array<i32>} : memref<96x128xi32, #tpu.memory_space<vmem>>, vector<16xi32>,
      %swap3A_162 = arith.index_cast %while3A_146 : i32 to index
      %swap3A_163 = arith.constant 80 : index
      %swap3A_164 = tpu.vector_load %arg12[%swap3A_162, %swap3A_163] {strides = array<i32>} : memref<96x128xi32, #tpu.memory_space<vmem>>, vector<16xi32>,
      tpu.vector_store %arg12[%swap3A_162, %swap3A_163], %broadcast_in_dim3A_120 {strides = array<i32>} : memref<96x128xi32, #tpu.memory_space<vmem>>, vector<16xi32>,
      %swap3A_165 = arith.index_cast %while3A_146 : i32 to index
      %swap3A_166 = arith.constant 96 : index
      %swap3A_167 = tpu.vector_load %arg12[%swap3A_165, %swap3A_166] {strides = array<i32>} : memref<96x128xi32, #tpu.memory_space<vmem>>, vector<16xi32>,
      tpu.vector_store %arg12[%swap3A_165, %swap3A_166], %broadcast_in_dim3A_120 {strides = array<i32>} : memref<96x128xi32, #tpu.memory_space<vmem>>, vector<16xi32>,
      %swap3A_168 = arith.index_cast %while3A_146 : i32 to index
      %swap3A_169 = arith.constant 112 : index
      %swap3A_170 = tpu.vector_load %arg12[%swap3A_168, %swap3A_169] {strides = array<i32>} : memref<96x128xi32, #tpu.memory_space<vmem>>, vector<16xi32>,
      tpu.vector_store %arg12[%swap3A_168, %swap3A_169], %broadcast_in_dim3A_120 {strides = array<i32>} : memref<96x128xi32, #tpu.memory_space<vmem>>, vector<16xi32>,
    }
    %while3A_139 = arith.constant 1 : i32
    scf.for %while3A_146 = %while3A_137 to %while3A_133 step %while3A_139  : i32 {
      %swap3A_147 = arith.index_cast %while3A_146 : i32 to index
      %swap3A_148 = arith.constant 0 : index
      %swap3A_149 = tpu.vector_load %arg12[%swap3A_147, %swap3A_148] {strides = array<i32>} : memref<96x128xi32, #tpu.memory_space<vmem>>, vector<16xi32>,
      tpu.vector_store %arg12[%swap3A_147, %swap3A_148], %broadcast_in_dim3A_120 {strides = array<i32>} : memref<96x128xi32, #tpu.memory_space<vmem>>, vector<16xi32>,
      %swap3A_150 = arith.index_cast %while3A_146 : i32 to index
      %swap3A_151 = arith.constant 16 : index
      %swap3A_152 = tpu.vector_load %arg12[%swap3A_150, %swap3A_151] {strides = array<i32>} : memref<96x128xi32, #tpu.memory_space<vmem>>, vector<16xi32>,
      tpu.vector_store %arg12[%swap3A_150, %swap3A_151], %broadcast_in_dim3A_120 {strides = array<i32>} : memref<96x128xi32, #tpu.memory_space<vmem>>, vector<16xi32>,
      %swap3A_153 = arith.index_cast %while3A_146 : i32 to index
      %swap3A_154 = arith.constant 32 : index
      %swap3A_155 = tpu.vector_load %arg12[%swap3A_153, %swap3A_154] {strides = array<i32>} : memref<96x128xi32, #tpu.memory_space<vmem>>, vector<16xi32>,
      tpu.vector_store %arg12[%swap3A_153, %swap3A_154], %broadcast_in_dim3A_120 {strides = array<i32>} : memref<96x128xi32, #tpu.memory_space<vmem>>, vector<16xi32>,
      %swap3A_156 = arith.index_cast %while3A_146 : i32 to index
      %swap3A_157 = arith.constant 48 : index
      %swap3A_158 = tpu.vector_load %arg12[%swap3A_156, %swap3A_157] {strides = array<i32>} : memref<96x128xi32, #tpu.memory_space<vmem>>, vector<16xi32>,
      tpu.vector_store %arg12[%swap3A_156, %swap3A_157], %broadcast_in_dim3A_120 {strides = array<i32>} : memref<96x128xi32, #tpu.memory_space<vmem>>, vector<16xi32>,
      %swap3A_159 = arith.index_cast %while3A_146 : i32 to index
      %swap3A_160 = arith.constant 64 : index
      %swap3A_161 = tpu.vector_load %arg12[%swap3A_159, %swap3A_160] {strides = array<i32>} : memref<96x128xi32, #tpu.memory_space<vmem>>, vector<16xi32>,
      tpu.vector_store %arg12[%swap3A_159, %swap3A_160], %broadcast_in_dim3A_120 {strides = array<i32>} : memref<96x128xi32, #tpu.memory_space<vmem>>, vector<16xi32>,
      %swap3A_162 = arith.index_cast %while3A_146 : i32 to index
      %swap3A_163 = arith.constant 80 : index
      %swap3A_164 = tpu.vector_load %arg12[%swap3A_162, %swap3A_163] {strides = array<i32>} : memref<96x128xi32, #tpu.memory_space<vmem>>, vector<16xi32>,
      tpu.vector_store %arg12[%swap3A_162, %swap3A_163], %broadcast_in_dim3A_120 {strides = array<i32>} : memref<96x128xi32, #tpu.memory_space<vmem>>, vector<16xi32>,
      %swap3A_165 = arith.index_cast %while3A_146 : i32 to index
      %swap3A_166 = arith.constant 96 : index
      %swap3A_167 = tpu.vector_load %arg12[%swap3A_165, %swap3A_166] {strides = array<i32>} : memref<96x128xi32, #tpu.memory_space<vmem>>, vector<16xi32>,
      tpu.vector_store %arg12[%swap3A_165, %swap3A_166], %broadcast_in_dim3A_120 {strides = array<i32>} : memref<96x128xi32, #tpu.memory_space<vmem>>, vector<16xi32>,
      %swap3A_168 = arith.index_cast %while3A_146 : i32 to index
      %swap3A_169 = arith.constant 112 : index
      %swap3A_170 = tpu.vector_load %arg12[%swap3A_168, %swap3A_169] {strides = array<i32>} : memref<96x128xi32, #tpu.memory_space<vmem>>, vector<16xi32>,
      tpu.vector_store %arg12[%swap3A_168, %swap3A_169], %broadcast_in_dim3A_120 {strides = array<i32>} : memref<96x128xi32, #tpu.memory_space<vmem>>, vector<16xi32>,
    }
    %dma_start3A_140 = arith.constant 0 : i32
    %dma_start3A_141 = arith.constant 0 : i32
    %dma_start3A_142 = tpu.memref_slice %arg4[%dma_start3A_140, %dma_start3A_141] : memref<3072x128xi32, #tpu.memory_space<hbm>> -> memref<3072x128xi32, #tpu.memory_space<hbm>>
    tpu.enqueue_indirect_dma source(%arg12 : memref<96x128xi32, #tpu.memory_space<vmem>>) target(%dma_start3A_142 : memref<3072x128xi32, #tpu.memory_space<hbm>>) offsets(%arg11 : memref<96xi32, #tpu.memory_space<vmem>>) semaphore(%arg14 : memref<!tpu.dma_semaphore, #tpu.memory_space<semaphore_mem>>)
    %dma_wait3A_143 = arith.constant 0 : i32
    %dma_wait3A_144 = arith.constant 0 : i32
    %dma_wait3A_145 = tpu.memref_slice %arg4[%dma_wait3A_143, %dma_wait3A_144] : memref<3072x128xi32, #tpu.memory_space<hbm>> -> memref<3072x128xi32, #tpu.memory_space<hbm>>
    tpu.wait_indirect_dma semaphore(%arg14 : memref<!tpu.dma_semaphore, #tpu.memory_space<semaphore_mem>>) src(%arg12 : memref<96x128xi32, #tpu.memory_space<vmem>>) dst(%dma_wait3A_145 : memref<3072x128xi32, #tpu.memory_space<hbm>>)
    return
  }
}

</mosaic_0001>

<sc_bundles>
// kernel: kernel.3.cloned.1.call-start
scs
__scs_entry_jumppad:
0x0: {  	(pc) =	sbr.rel $0x88, $3  }
0x1: {  	(tag) =	ssettag $0x0;
	lr =	simm.s32 $0x1  }
0x2: {  	[smem:$0x3F9F] =	sst lr;
	_ =	strace $0xD0000000  }
0x3: {  	_ = 	snop  }
0x4: {  	_ = 	snop  }
0x5: {  	_ = 	snop  }
0x6: {  	_ = 	snop  }
0x7: {  	_ = 	snop  }
__scs_overlays_trampoline_lowered:
0x8: {  	[smem:$0x3FAE] =	sst s0  }
0x9: {  	[smem:$0x3FAF] =	sst s1  }
0xa: {  	[smem:$0x3FB0] =	sst s2  }
0xb: {  	[smem:$0x3FB1] =	sst s3  }
0xc: {  	[smem:$0x3FB2] =	sst s4  }
0xd: {  	[smem:$0x3FB3] =	sst s5  }
0xe: {  	[smem:$0x3FB4] =	sst s6  }
0xf: {  	[smem:$0x3FB5] =	sst s7  }
0x10: {  	[smem:$0x3FB6] =	sst s8  }
0x11: {  	[smem:$0x3FB7] =	sst s9;
	s0 =	simm.s32 @!p0 $0x0  }
0x12: {  	s1 =	sld [smem:$0x3F9D];
	s0 =	simm.s32 @p0 $0x1  }
0x13: {  	[smem:$0x3FB8] =	sst s0;
	s0 =	simm.s32 @!p1 $0x0  }
0x14: {  	s2 =	sld [smem:$0x3F9C];
	s0 =	simm.s32 @p1 $0x1  }
0x15: {  	[smem:$0x3FB9] =	sst s0;
	s0 =	simm.s32 @!p2 $0x0  }
0x16: {  	s3 =	sld [smem:$0x3FDB];
	s0 =	simm.s32 @p2 $0x1  }
0x17: {  	s4 =	simm.s32 $0x1BF5;
	[smem:$0x3FBB] =	sst s0  }
0x18: {  	s0 =	sld [smem:$0x3F9E];
	_ =	swait.ge [sflag:s4], $0x0  }
0x19: {  	s7 =	sld [smem:$0x3F9F]  }
0x1a: {  	s8 =	sadd.s32 $0xFFFFE003, lr  }
0x1b: {  	s9 =	sadd.s32 $0xFFFFFEF7, lr;
	s5 =	simm.s32 $0xFFFFFFFF;
	p2 =	slt.u32 s8, $0xFFFFF086  }
0x1c: {  	p1 =	slt.u32 s9, $0xF7A;
	s5 =	simm.s32 @!p2 $0x0  }
0x1d: {  	s5 =	simm.s32 @p1 $0x1;
	p0 =	seq.s32 s7, s2  }
0x1e: {  	s7 =	smul.u32 @!p0 $0xF7A, s2;
	p2 =	seq.s32 @!p0 s5, $0x0  }
0x1f: {  	s9 =	smul.u32 $0xF7A, s1;
	s8 =	simm.s32 @!p0 $0x1BF5;
	p2 =	por !p2, p0  }
0x20: {  	[sflag:s8] =	ssyncset.s32 @!p0 $0xFFFFF086;
	s6 =	sadd.s32 @!p0 s3, s7;
	s7 =	simm.s32 @!p0 $0x108  }
0x21: {  	s3 =	sadd.s32 s3, s9;
	s6 =	sadd.s32 @!p0 $0x88, s6;
	s7 =	simm.s32 @p2 $0x1082  }
0x22: {  	[simem:s7], [sflag:s8] =	dma.local @!p0 [hbm:s6], $0xF7A  }
0x23: {  	s9 =	sor.u32 $0xD0000000, s2;
	s6 =	simm.s32 $0x108;
	_ =	swait.ge @!p0 [sflag:s8], $0x0  }
0x24: {  	s3 =	sadd.s32 $0x88, s3;
	s6 =	simm.s32 @!p1 $0x1082;
	[sflag:s4] =	ssyncset.s32 $0xFFFFF086  }
0x25: {  	[simem:s6], [sflag:s4] =	dma.local [hbm:s3], $0xF7A  }
0x26: {  	[smem:$0x3F9F] =	sst s1;
	(tag) =	ssettag s2;
	_ =	strace s9  }
0x27: {  	s1 =	sld [smem:$0x3FAF]  }
0x28: {  	s2 =	sld [smem:$0x3FB0]  }
0x29: {  	s4 =	sld [smem:$0x3FB2]  }
0x2a: {  	p0 =	seq.s32 s5, $0x0;
	s5 =	sld [smem:$0x3FB3]  }
0x2b: {  	s6 =	sld [smem:$0x3FB4]  }
0x2c: {  	s7 =	sld [smem:$0x3FB5]  }
0x2d: {  	s3 =	simm.s32 $0x108;
	s8 =	sld [smem:$0x3FB6]  }
0x2e: {  	s3 =	simm.s32 @!p0 $0x1082;
	s9 =	sld [smem:$0x3FB7]  }
0x2f: {  	lr =	sadd.s32 s0, s3;
	s0 =	sld [smem:$0x3FAE]  }
0x30: {  	s3 =	sld [smem:$0x3FB1]  }
0x31: {  	[smem:$0x3FBA] =	sst s10  }
0x32: {  	s10 =	sld [smem:$0x3FB8];
	_ =	sdelay $0x3  }
0x33: {  	p0 =	seq.s32 s10, $0x1;
	s10 =	sld [smem:$0x3FBA];
	_ =	sdelay $0x3  }
0x34: {  	[smem:$0x3FBA] =	sst s10  }
0x35: {  	s10 =	sld [smem:$0x3FB9];
	_ =	sdelay $0x3  }
0x36: {  	p1 =	seq.s32 s10, $0x1;
	s10 =	sld [smem:$0x3FBA];
	_ =	sdelay $0x3  }
0x37: {  	[smem:$0x3FBA] =	sst s10  }
0x38: {  	s10 =	sld [smem:$0x3FBB]  }
0x39: {  	_ = 	snop;
	(pc) =	sbr.ind lr, $3  }
0x3a: {  	_ = 	snop  }
0x3b: {  	_ = 	snop  }
0x3c: {  	p2 =	seq.s32 s10, $0x1;
	s10 =	sld [smem:$0x3FBA]  }
0x3d: {  	_ =	shalt  }
0x3e: {  	_ =	shalt  }
0x3f: {  	_ =	shalt  }
0x40: {  	_ =	shalt  }
0x41: {  	_ =	shalt  }
0x42: {  	_ =	shalt  }
0x43: {  	_ =	shalt  }
0x44: {  	_ =	shalt  }
0x45: {  	_ =	shalt  }
0x46: {  	_ =	shalt  }
0x47: {  	_ =	shalt  }
0x48: {  	_ =	shalt  }
0x49: {  	_ =	shalt  }
0x4a: {  	_ =	shalt  }
0x4b: {  	_ =	shalt  }
0x4c: {  	_ =	shalt  }
0x4d: {  	_ =	shalt  }
0x4e: {  	_ =	shalt  }
0x4f: {  	_ =	shalt  }
0x50: {  	_ =	shalt  }
0x51: {  	_ =	shalt  }
0x52: {  	_ =	shalt  }
0x53: {  	_ =	shalt  }
0x54: {  	_ =	shalt  }
0x55: {  	_ =	shalt  }
0x56: {  	_ =	shalt  }
0x57: {  	_ =	shalt  }
0x58: {  	_ =	shalt  }
0x59: {  	_ =	shalt  }
0x5a: {  	_ =	shalt  }
0x5b: {  	_ =	shalt  }
0x5c: {  	_ =	shalt  }
0x5d: {  	_ =	shalt  }
0x5e: {  	_ =	shalt  }
0x5f: {  	_ =	shalt  }
0x60: {  	_ =	shalt  }
0x61: {  	_ =	shalt  }
0x62: {  	_ =	shalt  }
0x63: {  	_ =	shalt  }
0x64: {  	_ =	shalt  }
0x65: {  	_ =	shalt  }
0x66: {  	_ =	shalt  }
0x67: {  	_ =	shalt  }
0x68: {  	_ =	shalt  }
0x69: {  	_ =	shalt  }
0x6a: {  	_ =	shalt  }
0x6b: {  	_ =	shalt  }
0x6c: {  	_ =	shalt  }
0x6d: {  	_ =	shalt  }
0x6e: {  	_ =	shalt  }
0x6f: {  	_ =	shalt  }
0x70: {  	_ =	shalt  }
0x71: {  	_ =	shalt  }
0x72: {  	_ =	shalt  }
0x73: {  	_ =	shalt  }
0x74: {  	_ =	shalt  }
0x75: {  	_ =	shalt  }
0x76: {  	_ =	shalt  }
0x77: {  	_ =	shalt  }
0x78: {  	_ =	shalt  }
0x79: {  	_ =	shalt  }
0x7a: {  	_ =	shalt  }
0x7b: {  	_ =	shalt  }
0x7c: {  	_ =	shalt  }
0x7d: {  	_ =	shalt  }
0x7e: {  	_ =	shalt  }
0x7f: {  	_ =	shalt  }
0x80: {  	_ =	shalt  }
0x81: {  	_ =	shalt  }
0x82: {  	_ =	shalt  }
0x83: {  	_ =	shalt  }
0x84: {  	_ =	shalt  }
0x85: {  	_ =	shalt  }
0x86: {  	_ =	shalt  }
0x87: {  	_ =	shalt  }
.Lfunc_end0:
.L_simem_size_0:
called_computation_lowered:
.L_overlay_start_0:
0x88: {  	s2 =	sld [smem:$0x3FD9]  }
0x89: {  	s3 =	sld [smem:$0x3FFE];
	_ =	sdelay $0x1  }
0x8a: {  	s1 =	srdreg.scid  }
0x8b: {  	s0 =	sand.u32 $0x1, s1  }
0x8c: {  	s15 =	sshll.u32 s0, $0xA;
	s2 =	sadd.s32 s3, s2  }
0x8d: {  	s2 =	sadd.s32 s2, s15  }
0x8e: {  	[smem:$0x3FC6] =	sst s2  }
0x8f: {  	_ = 	snop  }
0x90: {  	s2 =	sld [smem:$0x3FD0];
	_ =	sdelay $0x1  }
0x91: {  	s16 =	sld [smem:$0x3FC9]  }
0x92: {  	s5 =	simm.s32 $0xA;
	s6 =	simm.s32 $0x10;
	s4 =	sld [smem:$0x3FC8]  }
0x93: {  	[smem:s6], [sflag:s5] =	dma.local [hbm:s2], $0x1  }
0x94: {  	_ =	swait.eq [sflag:s5], $0x1  }
0x95: {  	s17 =	sld [smem:$0x10];
	[sflag:s5] =	ssyncset.done $0x0  }
0x96: {  	s18 =	sld [smem:$0x11];
	[sflag:s5] =	ssyncadd.s32 $0xFFFFFFFF  }
0x97: {  	s19 =	sld [smem:$0x12];
	(tm) =	ssettm $0x1  }
0x98: {  	s7 =	sld [smem:$0x3FFB];
	_ =	sdelay $0x3  }
0x99: {  	_ =	strace s7  }
0x9a: {  	s7 =	sld [smem:$0x3FFC];
	_ =	sdelay $0x3  }
0x9b: {  	_ =	strace s7  }
0x9c: {  	s7 =	sld [smem:$0x3FFD];
	_ =	sdelay $0x3  }
0x9d: {  	_ =	strace s7  }
0x9e: {  	_ =	strace $0x8FFFFFFF  }
0x9f: {  	s20 =	sld [smem:$0x3FDB];
	_ =	sdelay $0x1  }
0xa0: {  	s8 =	simm.s32 $_scs_section_size  }
0xa1: {  	s9 =	simm.s32 $_size__tile_overlayer_lowered;
	s10 =	simm.s32 $_tile_overlayer_lowered  }
0xa2: {  	s23 =	simm.s32 $0x1BFF;
	s22 =	sshll.u32 s10, $0x1;
	s7 =	sadd.s32 s8, s20  }
0xa3: {  	s11 =	simm.s32 $0x0;
	s21 =	sshll.u32 s9, $0x1;
	s9 =	sadd.s32 s22, s7  }
0xa4: {  	[timem:s11], [sflag:s23] =	dma.local [hbm:s9], s21  }
0xa5: {  	_ =	swait.ge [sflag:s23], s21  }
0xa6: {  	s8 =	ssub.s32 $0x0, s21;
	[sflag:s23] =	ssyncset.done $0x0  }
0xa7: {  	[sflag:s23] =	ssyncadd.s32 s8;
	_ =	sdelay $0x1  }
0xa8: {  	s24 =	simm.s32 $0x1B8B  }
0xa9: {  	_ =	swait.ge [sflag:s24], $0x1  }
0xaa: {  	[sflag:s24] =	ssyncset.done $0x0  }
0xab: {  	s25 =	simm.s32 $0x1B8E;
	[sflag:s24] =	ssyncadd.s32 $0xFFFFFFFF  }
0xac: {  	s26 =	simm.s32 $execute0_lowered;
	[smem:$0x3FD2] =	sst s25  }
0xad: {  	s8 =	sshll.u32 s26, $0x1;
	_ =	strace $0x80000046;
	[dreg:$0x1] =	wrdreg $0xFFFFFFFF  }
0xae: {  	s28 =	simm.s32 $_size_execute0_lowered;
	s7 =	sadd.s32 s7, s8;
	[dreg:$0x0] =	wrdreg $0x0  }
0xaf: {  	s8 =	sshll.u32 s28, $0x1;
	[dreg:$0x2] =	wrdreg s7  }
0xb0: {  	[dreg:$0x3] =	wrdreg s8  }
0xb1: {  	[dreg:$0x4] =	wrdreg $0xC0  }
0xb2: {  	_ =	task [dreg:s11], $0x5FFFF  }
0xb3: {  	[dreg:$0x1] =	wrdreg $0xFFFFFFFF  }
0xb4: {  	[dreg:$0x0] =	wrdreg $0x60  }
0xb5: {  	[dreg:$0x2] =	wrdreg s16  }
0xb6: {  	[dreg:$0x3] =	wrdreg s4  }
0xb7: {  	[dreg:$0x4] =	wrdreg s17  }
0xb8: {  	[dreg:$0x5] =	wrdreg s18  }
0xb9: {  	[dreg:$0x6] =	wrdreg s19  }
0xba: {  	[dreg:$0x7] =	wrdreg $0x9  }
0xbb: {  	_ =	task.clear_ibuf [dreg:s11], $0x8FFFF;
	_ =	strace $0x90000046  }
0xbc: {  	s29 =	simm.s32 $0x9;
	_ =	strace $0x80000048  }
0xbd: {  	_ =	swait.ge [sflag:s29], $0x1  }
0xbe: {  	[sflag:s29] =	ssyncadd.s32 $0xFFFFFFFF  }
0xbf: {  	_ =	strace $0x90000048  }
0xc0: {  	_ =	sfence  }
0xc1: {  	s30 =	sld [smem:$0x0];
	_ =	sdelay $0x2  }
0xc2: {  	s31 =	sshll.u32 s1, $0xD;
	s1 =	sshrl.u32 s1, $0x2  }
0xc3: {  	s3 =	sand.u32 $0x4000, s31;
	s1 =	sadd.s32 s1, s30  }
0xc4: {  	s0 =	sor.u32 s3, s0;
	s1 =	sshll.u32 s1, $0x11  }
0xc5: {  	s0 =	sor.u32 s1, s0  }
0xc6: {  	s0 =	sadd.s32 $0x8F2B, s0  }
0xc7: {  	[sflag:s0] =	ssyncadd.remote.s32 $0x1  }
0xc8: {  	_ =	sfence.sel $0xFFFF  }
0xc9: {  	[dreg:$0x0] =	wrdreg $0xFFFFFFFF;
	(pc) =	sbr.abs _section_cstart, $3  }
0xca: {  	[dreg:$0x1] =	wrdreg $0xFFFFFFFF  }
0xcb: {  	_ =	task.clear_ibuf [dreg:s11], $0x2FFFF;
	_ =	strace $0x9FFFFFFF  }
0xcc: {  	(tm) =	ssettm $0x7FFFFFFF  }
0xcd: {  	_ =	shalt  }
tec
execute0_lowered:
.L_overlay_start_1:
0x0: {  	(tag) =	ssettag $0x1  }
0x1: {  	s0 =	rddreg [dreg:$0x0]  }
0x2: {  	s2 =	rddreg [dreg:$0x1]  }
0x3: {  	s3 =	rddreg [dreg:$0x2]  }
0x4: {  	s4 =	rddreg [dreg:$0x3]  }
0x5: {  	s6 =	rddreg [dreg:$0x4];
	s7 =	srdreg.scid  }
0x6: {  	s1 =	rddreg [dreg:$0x5];
	s5 =	stileid.u32;
	_ =	strace $0x80000047  }
0x7: {  	v0 =	vlaneseq.u32;
	s12 =	simm.s32 $0x3;
	s13 =	simm.s32 $0x100;
	s14 =	simm.s32 $0x1;
	v12 =	vimm.s32 $0x0  }
0x8: {  	s15 =	simm.s32 $0x180;
	s16 =	simm.s32 $0x200;
	s18 =	simm.s32 $0x280;
	v1 =	vmul.u32 $0xFFFFFFFF, v0;
	v2 =	vmov s5;
	v3 =	vmul.u32 $0x8, v0  }
0x9: {  	s19 =	simm.s32 $0x2;
	s20 =	simm.s32 $0x0;
	s10 =	sand.u32 $0x1, s7;
	v4 =	vadd.s32 $0x1, v0;
	v5 =	vadd.s32 $0x11, v0;
	v6 =	vadd.s32 $0x21, v0  }
.Ltmp0:
0xa: {  	s11 =	sshll.u32 s5, $0x4;
	v7 =	vadd.s32 $0x31, v0;
	v8 =	vadd.s32 $0x41, v0;
	v9 =	vadd.s32 $0x51, v0;
	s7 =	ssub.s32 $0x2, s10;
	(pc) =	sbr.rel .LBB2_1-.Ltmp0, $4  }
0xb: {  	v10 =	vadd.s32 $0x61, v0;
	v11 =	vadd.s32 $0x71, v0;
	v13 =	vor.u32 $0x10, v0;
	s9 =	smul.u32 $0x600, s10;
	s11 =	sand.u32 $0x80, s11;
	s17 =	sor.u32 s5, s10  }
0xc: {  	v14 =	vor.u32 $0x20, v0;
	v15 =	vor.u32 $0x30, v0;
	v16 =	vor.u32 $0x40, v0;
	s10 =	smul.u32 $0xC, s10;
	s8 =	sshrl.u32 s7, $0x1;
	p0 =	sne.s32 s17, $0x0  }
0xd: {  	v17 =	vor.u32 $0x50, v0;
	vm0 =	veq.s32 v2, v0;
	v2 =	vmul.u32 $0x6, v0;
	s17 =	simm.s32 $0x60;
	s8 =	ssub.s32 s7, s8;
	s7 =	sand.u32 $0x7, s5  }
0xe: {  	v18 =	vor.u32 $0x60, v0;
	v19 =	vor.u32 $0x70, v0;
	v1 =	vadd.s32 $0x8000000F, v1;
	s9 =	sor.u32 s11, s9;
	s11 =	simm.s32 $0x0;
	s8 =	smax.u32 s8, $0x1  }
.LBB2_6:
0xf: {  	[tilespmem:s22+$0xFFFFFFA0] =	vst v12  }
.LBB2_7:
0x10: {  	s20 =	sadd.s32 $0x1, s20  }
0x11: {  	p1 =	sne.s32 s20, s8  }
.Ltmp1:
0x12: {  	_ = 	snop;
	(pc) =	sbr.rel @!p1 .LBB2_8-.Ltmp1, $4  }
0x13: {  	[hbm4b:s3+s17] =	stream.indirect.scatter [tilespmem:s18], [sflag:$0x2], $0x80, s16, s17, $0xb8;
	[tilespmem:$0x3280] =	vst v63  }
0x14: {  	_ =	swait.ge [sflag:s19], $0x3000  }
0x15: {  	[sflag:s19] =	ssyncset.done $0x0  }
0x16: {  	[sflag:s19] =	ssyncadd.s32 $0xFFFFD000  }
.LBB2_1:
0x17: {  	[tilespmem:s11], [sflag:$0x3] =	stream.linear.gather [hbm4b:s2+s11], $0x80, $0x38;
	[tilespmem:$0x3280] =	vst v63  }
0x18: {  	_ =	swait.ge [sflag:s12], $0x80  }
0x19: {  	[sflag:s12] =	ssyncset.done $0x0  }
0x1a: {  	[sflag:s12] =	ssyncadd.s32 $0xFFFFFF80  }
0x1b: {  	v20 =	vld [tilespmem:$0x0];
	_ =	sdelay $0x4  }
0x1c: {  	v20 =	vshll.u32 v20, $0x4  }
0x1d: {  	v20 =	vxor.u32 v1, v20  }
0x1e: {  	(xrf1) =	vsort.dscd.msk.u32 $0xffff, v20, v0;
	_ =	sdelay $0xd  }
0x1f: {  	v21, v22, _ =	vpop (xrf1)  }
0x20: {  	v20 =	vnsel vm0, $0x0, v22  }
0x21: {  	(xrf0) =	vadd.scan.msk.s32 $0xffff, v20;
	_ =	sdelay $0x5  }
0x22: {  	v20, _, _ =	vpop (xrf0)  }
0x23: {  	(v2sf) =	vpush v20, $0xF;
	_ =	sdelay $0xe  }
0x24: {  	s21 =	spop (v2sf)  }
0x25: {  	s22 =	sand.u32 $0x7, s21  }
0x26: {  	s23 =	sshra.s32 s21, $0x1F;
	p1 =	slt.s32 s21, $0x1;
	p2 =	sne.s32 s22, $0x0  }
0x27: {  	s31 =	sshrl.u32 s23, $0x1D;
	p1 =	por !p1, !p2  }
0x28: {  	s23 =	simm.s32 $0x1;
	s22 =	sadd.s32 s31, s21;
	p1 =	por !p1, !p1  }
0x29: {  	s22 =	sshra.s32 s22, $0x3;
	s23 =	simm.s32 @!p1 $0x0  }
0x2a: {  	v20 =	vadd.s32 s11, v2;
	s22 =	ssub.s32 s22, s23  }
0x2b: {  	v21 =	vshrl.u32 v21, $0x4;
	s23 =	sshll.u32 s22, $0x3;
	s22 =	sadd.s32 s10, s22  }
0x2c: {  	v21 =	vxor.u32 $0x8000000, v21;
	s21 =	ssub.s32 s21, s23;
	s22 =	sshll.u32 s22, $0x7  }
0x2d: {  	[tilespmem:$0x80] =	vst v21;
	s23 =	sadd.s32 s21, s22  }
0x2e: {  	s24 =	sor.u32 s7, s9;
	[tilespmem:v22+s13+$0x0] =	vst.idx.msk $0xffff, v0;
	v22 =	vadd.s32 s23, v3  }
0x2f: {  	s23 =	simm.s32 $0x1;
	[tilespmem:v20+s15+$0x0] =	vst.idx.msk $0xffff, v22;
	v22 =	vor.u32 s24, v3;
	s24 =	smov.u32 s9  }
.LBB2_2:
0x30: {  	[tilespmem:v20+s16+$0x0] =	vst.idx.msk $0xffff, v22;
	v20 =	vadd.s32 s23, v2;
	p1 =	sne.s32 s23, $0x5  }
.Ltmp2:
0x31: {  	s23 =	sadd.s32 $0x1, s23;
	(pc) =	sbr.rel @p1 .LBB2_2-.Ltmp2, $4  }
0x32: {  	s22 =	sadd.s32 $0x100, s22  }
0x33: {  	s24 =	sadd.s32 $0x100, s24;
	s25 =	sadd.s32 s21, s22  }
0x34: {  	v22 =	vadd.s32 s25, v3;
	s25 =	sor.u32 s7, s24  }
0x35: {  	[tilespmem:v20+s15+$0x0] =	vst.idx.msk $0xffff, v22;
	v22 =	vor.u32 s25, v3  }
0x36: {  	v21 =	vnsel vm0, $0x0, v21  }
0x37: {  	(xrf0) =	vadd.scan.msk.s32 $0xffff, v21;
	_ =	sdelay $0x5  }
0x38: {  	v21, _, _ =	vpop (xrf0)  }
0x39: {  	(v2sf) =	vpush v21, $0xF;
	_ =	sdelay $0xa  }
0x3a: {  	[tilespmem:v20+s16+$0x0] =	vst.idx.msk $0xffff, v22  }
0x3b: {  	[tilespmem:s18], [sflag:$0x1] =	stream.indirect.gather [hbm4b:s0+s17], $0x80, s15, s17, $0xb8;
	[tilespmem:$0x3280] =	vst v63  }
0x3c: {  	s23 =	simm.s32 @!p0 $0x0;
	s21 =	simm.s32 @!p0 $0x80  }
0x3d: {  	[hbm4b:s4+s23] =	stream.linear.scatter @!p0 [tilespmem:s21], [sflag:$0x3], $0x80, $0x38;
	[tilespmem:$0x3280] =	vst v63  }
0x3e: {  	s22 =	spop (v2sf)  }
0x3f: {  	s29 =	sand.u32 $0x7F, s22  }
0x40: {  	s24 =	sshra.s32 s22, $0x1F;
	p1 =	slt.s32 s22, $0x1;
	p2 =	sne.s32 s29, $0x0  }
0x41: {  	s30 =	sshrl.u32 s24, $0x19;
	p1 =	por !p1, !p2  }
0x42: {  	s24 =	simm.s32 $0x1;
	s21 =	sadd.s32 s30, s22;
	p1 =	por !p1, !p1  }
0x43: {  	s25 =	simm.s32 @!p0 $0x3;
	s21 =	sshra.s32 s21, $0x7;
	s24 =	simm.s32 @!p1 $0x0  }
0x44: {  	_ =	swait.ge @!p0 [sflag:s25], $0x80;
	s21 =	ssub.s32 s21, s24  }
0x45: {  	[sflag:s25] =	ssyncset.done @!p0 $0x0;
	s24 =	sshll.u32 s21, $0x7  }
0x46: {  	[sflag:s25] =	ssyncadd.s32 @!p0 $0xFFFFFF80;
	s22 =	ssub.s32 s22, s24;
	s24 =	simm.s32 @!p0 $0x100  }
0x47: {  	[hbm4b:s6+s23] =	stream.linear.scatter @!p0 [tilespmem:s24], [sflag:$0x3], $0x80, $0x38;
	v20 =	vmov s22;
	[tilespmem:$0x3280] =	vst v63  }
0x48: {  	_ =	swait.ge @!p0 [sflag:s25], $0x80;
	vm1 =	vlt.s32 v20, v4  }
0x49: {  	vm2 =	vlt.s32 v20, v5;
	[sflag:s25] =	ssyncset.done @!p0 $0x0  }
0x4a: {  	vm3 =	vlt.s32 v20, v6;
	[sflag:s25] =	ssyncadd.s32 @!p0 $0xFFFFFF80  }
0x4b: {  	s31 =	smul.u32 $0xC00, s21;
	vm4 =	vlt.s32 v20, v7;
	_ =	swait.ge [sflag:s14], $0x3000  }
0x4c: {  	vm5 =	vlt.s32 v20, v8;
	[sflag:s14] =	ssyncset.done $0x0  }
0x4d: {  	s22 =	sshra.s32 s31, $0x2;
	vm6 =	vlt.s32 v20, v9;
	[sflag:s14] =	ssyncadd.s32 $0xFFFFD000  }
0x4e: {  	vm7 =	vlt.s32 v20, v10;
	[tilespmem:v0+s22+$0x280] =	vst.idx.msk vm1, v12  }
0x4f: {  	vm8 =	vlt.s32 v20, v11;
	[tilespmem:v13+s22+$0x280] =	vst.idx.msk vm2, v12  }
0x50: {  	[tilespmem:v14+s22+$0x280] =	vst.idx.msk vm3, v12  }
0x51: {  	[tilespmem:v15+s22+$0x280] =	vst.idx.msk vm4, v12  }
0x52: {  	[tilespmem:v16+s22+$0x280] =	vst.idx.msk vm5, v12  }
0x53: {  	[tilespmem:v17+s22+$0x280] =	vst.idx.msk vm6, v12  }
0x54: {  	[tilespmem:v18+s22+$0x280] =	vst.idx.msk vm7, v12  }
0x55: {  	[tilespmem:v19+s22+$0x280] =	vst.idx.msk vm8, v12  }
0x56: {  	[tilespmem:v0+s22+$0x300] =	vst.idx.msk vm1, v12  }
0x57: {  	[tilespmem:v13+s22+$0x300] =	vst.idx.msk vm2, v12  }
0x58: {  	[tilespmem:v14+s22+$0x300] =	vst.idx.msk vm3, v12  }
0x59: {  	[tilespmem:v15+s22+$0x300] =	vst.idx.msk vm4, v12  }
0x5a: {  	[tilespmem:v16+s22+$0x300] =	vst.idx.msk vm5, v12  }
0x5b: {  	[tilespmem:v17+s22+$0x300] =	vst.idx.msk vm6, v12  }
0x5c: {  	[tilespmem:v18+s22+$0x300] =	vst.idx.msk vm7, v12  }
0x5d: {  	[tilespmem:v19+s22+$0x300] =	vst.idx.msk vm8, v12  }
0x5e: {  	[tilespmem:v0+s22+$0x380] =	vst.idx.msk vm1, v12  }
0x5f: {  	[tilespmem:v13+s22+$0x380] =	vst.idx.msk vm2, v12  }
0x60: {  	[tilespmem:v14+s22+$0x380] =	vst.idx.msk vm3, v12  }
0x61: {  	[tilespmem:v15+s22+$0x380] =	vst.idx.msk vm4, v12  }
0x62: {  	[tilespmem:v16+s22+$0x380] =	vst.idx.msk vm5, v12  }
0x63: {  	[tilespmem:v17+s22+$0x380] =	vst.idx.msk vm6, v12  }
0x64: {  	[tilespmem:v18+s22+$0x380] =	vst.idx.msk vm7, v12  }
0x65: {  	[tilespmem:v19+s22+$0x380] =	vst.idx.msk vm8, v12  }
0x66: {  	[tilespmem:v0+s22+$0x400] =	vst.idx.msk vm1, v12  }
0x67: {  	[tilespmem:v13+s22+$0x400] =	vst.idx.msk vm2, v12  }
0x68: {  	[tilespmem:v14+s22+$0x400] =	vst.idx.msk vm3, v12  }
0x69: {  	[tilespmem:v15+s22+$0x400] =	vst.idx.msk vm4, v12  }
0x6a: {  	[tilespmem:v16+s22+$0x400] =	vst.idx.msk vm5, v12  }
0x6b: {  	[tilespmem:v17+s22+$0x400] =	vst.idx.msk vm6, v12  }
0x6c: {  	[tilespmem:v18+s22+$0x400] =	vst.idx.msk vm7, v12  }
0x6d: {  	[tilespmem:v19+s22+$0x400] =	vst.idx.msk vm8, v12  }
0x6e: {  	[tilespmem:v0+s22+$0x480] =	vst.idx.msk vm1, v12  }
0x6f: {  	[tilespmem:v13+s22+$0x480] =	vst.idx.msk vm2, v12  }
0x70: {  	[tilespmem:v14+s22+$0x480] =	vst.idx.msk vm3, v12  }
0x71: {  	[tilespmem:v15+s22+$0x480] =	vst.idx.msk vm4, v12  }
0x72: {  	[tilespmem:v16+s22+$0x480] =	vst.idx.msk vm5, v12  }
0x73: {  	[tilespmem:v17+s22+$0x480] =	vst.idx.msk vm6, v12  }
0x74: {  	[tilespmem:v18+s22+$0x480] =	vst.idx.msk vm7, v12  }
0x75: {  	[tilespmem:v19+s22+$0x480] =	vst.idx.msk vm8, v12  }
0x76: {  	[tilespmem:v0+s22+$0x500] =	vst.idx.msk vm1, v12  }
0x77: {  	[tilespmem:v13+s22+$0x500] =	vst.idx.msk vm2, v12  }
0x78: {  	p1 =	sgt.s32 s21, $0xE;
	[tilespmem:v14+s22+$0x500] =	vst.idx.msk vm3, v12  }
.Ltmp3:
0x79: {  	[tilespmem:v15+s22+$0x500] =	vst.idx.msk vm4, v12;
	(pc) =	sbr.rel @p1 .LBB2_7-.Ltmp3, $4  }
0x7a: {  	[tilespmem:v16+s22+$0x500] =	vst.idx.msk vm5, v12  }
0x7b: {  	[tilespmem:v17+s22+$0x500] =	vst.idx.msk vm6, v12  }
0x7c: {  	[tilespmem:v18+s22+$0x500] =	vst.idx.msk vm7, v12  }
0x7d: {  	[tilespmem:v19+s22+$0x500] =	vst.idx.msk vm8, v12  }
0x7e: {  	s21 =	smul.u32 $0x6, s21;
	_ =	sdelay $0x1  }
0x7f: {  	s22 =	sadd.s32 $0x5F0, s22;
	s21 =	sadd.s32 $0x5, s21  }
0x80: {  	[tilespmem:s22+$0xFFFFFF90] =	vst v12;
	s21 =	sadd.s32 $0x1, s21  }
0x81: {  	[tilespmem:s22+$0x0] =	vst v12;
	p1 =	slt.s32 s21, $0x5F  }
.Ltmp4:
0x82: {  	[tilespmem:s22+$0xFFFFFFF0] =	vst v12;
	(pc) =	sbr.rel @!p1 .LBB2_6-.Ltmp4, $4  }
0x83: {  	[tilespmem:s22+$0xFFFFFFE0] =	vst v12  }
0x84: {  	[tilespmem:s22+$0xFFFFFFD0] =	vst v12  }
0x85: {  	[tilespmem:s22+$0xFFFFFFC0] =	vst v12  }
0x86: {  	[tilespmem:s22+$0xFFFFFFB0] =	vst v12  }
.LBB2_5:
0x87: {  	s21 =	sadd.s32 $0x1, s21;
	[tilespmem:s22+$0xFFFFFFA0] =	vst v12;
	s22 =	sadd.s32 $0x80, s22  }
0x88: {  	[tilespmem:s22+$0xFFFFFF90] =	vst v12;
	p1 =	slt.s32 s21, $0x5F  }
0x89: {  	[tilespmem:s22+$0x0] =	vst v12  }
.Ltmp5:
0x8a: {  	[tilespmem:s22+$0xFFFFFFF0] =	vst v12;
	(pc) =	sbr.rel @p1 .LBB2_5-.Ltmp5, $4  }
0x8b: {  	[tilespmem:s22+$0xFFFFFFE0] =	vst v12  }
0x8c: {  	[tilespmem:s22+$0xFFFFFFD0] =	vst v12  }
0x8d: {  	[tilespmem:s22+$0xFFFFFFC0] =	vst v12  }
0x8e: {  	[tilespmem:s22+$0xFFFFFFB0] =	vst v12  }
.Ltmp6:
0x8f: {  	_ = 	snop;
	(pc) =	sbr.rel .LBB2_6-.Ltmp6, $1  }
0x90: {  	_ =	sdelay $0x3  }
.LBB2_8:
0x91: {  	_ =	sfence.sel $0x180000  }
0x92: {  	[bflag:$0x0] =	sbarrier.arrive $0xFFFF  }
0x93: {  	p0 =	sne.s32 s5, $0x0;
	_ =	strace $0x90000047  }
0x94: {  	s0 =	sadd.s32 @!p0 $0x100000, s1;
	[bflag:$0x2] =	sbarrier.arrive $0xFFFF  }
0x95: {  	[sflag:s0] =	ssyncadd.tile.s32 @!p0 $0x1;
	_ =	shalt  }
.Lfunc_end2:
_tile_overlayer_lowered:
.L_overlay_start_2:
0x96: {  	(tag) =	ssettag $0x2  }
0x97: {  	s0 =	rddreg [dreg:$0x0];
	s2 =	stileid.u32  }
0x98: {  	s1 =	rddreg [dreg:$0x1];
	p0 =	sne.s32 s2, $0x0  }
0x99: {  	s3 =	rddreg [dreg:$0x2];
	[bflag:$0x3] =	sbarrier.arrive $0xFFFF;
	s2 =	simm.s32 @!p0 $0x1C03  }
0x9a: {  	[timem:s3], [sflag:s2] =	dma.local @!p0 [hbm:s0], s1  }
0x9b: {  	s0 =	simm.s32 @!p0 $0x3  }
0x9c: {  	_ =	swait.ge @!p0 [sflag:s0], s1  }
0x9d: {  	s1 =	ssub.s32 @!p0 $0x0, s1;
	[sflag:s0] =	ssyncset.done @!p0 $0x0  }
0x9e: {  	[sflag:s0] =	ssyncadd.s32 @!p0 s1  }
0x9f: {  	[bflag:$0x3] =	sbarrier.arrive $0xFFFF  }
0xa0: {  	_ =	shalt  }

</sc_bundles>
